<compile_context>
chip_gen: v7x
topology: tpu7x:2x2x1
jax: 0.10.2.dev20260603
libtpu: 0.0.44.dev20260713+nightly
codegen_flags: <defaults>
</compile_context>

<pallas_src>
import functools

import jax
import jax.numpy as jnp
from jax import lax
from jax.experimental import pallas as pl
from jax.experimental.pallas import tpu as pltpu
from jax.experimental.pallas import tpu_sc as plsc

BS, SRC, DIM, N_EMB, EMB_DIM = 1024, 200, 64, 100000, 64
D3 = 3 * DIM
VT = 1024
NT = (N_EMB + VT - 1) // VT
NC, NS = 2, 16
NW = NC * NS
NIDS = BS * SRC
CHUNK = 128
NCH = NIDS // (NW * CHUNK)
MAXRUN = 6
NEG = -1e30


def _pass1_body(we_ref, wp_ref, cc_ref, bo_ref, m_ref, s_ref):
    i = pl.program_id(0)
    wout = jnp.tanh(
        jax.lax.dot(we_ref[...].astype(jnp.bfloat16),
                    wp_ref[...].astype(jnp.bfloat16),
                    preferred_element_type=jnp.float32))
    lt = jax.lax.dot_general(
        wout.astype(jnp.bfloat16), cc_ref[...].astype(jnp.bfloat16),
        (((1,), (1,)), ((), ())), preferred_element_type=jnp.float32)
    lt = lt + bo_ref[...]
    row = i * VT + lax.broadcasted_iota(jnp.int32, (VT, BS), 0)
    lt = jnp.where(row < N_EMB, lt, NEG)

    @pl.when(i == 0)
    def _():
        m_ref[...] = jnp.full((1, BS), NEG, jnp.float32)
        s_ref[...] = jnp.zeros((1, BS), jnp.float32)

    m_old = m_ref[...]
    m_new = jnp.maximum(m_old, jnp.max(lt, axis=0, keepdims=True))
    p = jnp.exp(lt - m_new)
    s_ref[...] = (s_ref[...] * jnp.exp(m_old - m_new)
                  + jnp.sum(p, axis=0, keepdims=True))
    m_ref[...] = m_new


def _run_pass1(w_emb, w_proj, cc, bo):
    return pl.pallas_call(
        _pass1_body,
        grid=(NT,),
        in_specs=[
            pl.BlockSpec((VT, EMB_DIM), lambda i: (i, 0)),
            pl.BlockSpec((EMB_DIM, D3), lambda i: (0, 0)),
            pl.BlockSpec((BS, D3), lambda i: (0, 0)),
            pl.BlockSpec((VT, 1), lambda i: (i, 0)),
        ],
        out_specs=[
            pl.BlockSpec((1, BS), lambda i: (0, 0)),
            pl.BlockSpec((1, BS), lambda i: (0, 0)),
        ],
        out_shape=[
            jax.ShapeDtypeStruct((1, BS), jnp.float32),
            jax.ShapeDtypeStruct((1, BS), jnp.float32),
        ],
    )(w_emb, w_proj, cc, bo)


def _dense_body(we_ref, wp_ref, wu_ref, cc_ref, bo_ref, bu_ref, m_ref, s_ref,
                p1_ref, o_ref):
    ccb = cc_ref[...].astype(jnp.bfloat16)
    wout = jnp.tanh(
        jax.lax.dot(we_ref[...].astype(jnp.bfloat16),
                    wp_ref[...].astype(jnp.bfloat16),
                    preferred_element_type=jnp.float32))
    lt = jax.lax.dot_general(
        wout.astype(jnp.bfloat16), ccb,
        (((1,), (1,)), ((), ())), preferred_element_type=jnp.float32)
    lt = lt + bo_ref[...]
    p0 = jnp.exp(lt - m_ref[...]) * (1.0 / s_ref[...])
    zu = jax.lax.dot_general(
        wu_ref[...].astype(jnp.bfloat16), ccb,
        (((1,), (1,)), ((), ())), preferred_element_type=jnp.float32)
    zu = zu + bu_ref[...]
    pu = jax.nn.sigmoid(zu)
    p1 = p1_ref[...].reshape(VT, BS)
    o_ref[...] = pu * p1 + (1.0 - pu) * p0


def _run_dense(w_emb, w_proj, w_u, cc, bo, bu, m, s, p1flat):
    return pl.pallas_call(
        _dense_body,
        grid=(NT,),
        in_specs=[
            pl.BlockSpec((VT, EMB_DIM), lambda i: (i, 0)),
            pl.BlockSpec((EMB_DIM, D3), lambda i: (0, 0)),
            pl.BlockSpec((VT, D3), lambda i: (i, 0)),
            pl.BlockSpec((BS, D3), lambda i: (0, 0)),
            pl.BlockSpec((VT, 1), lambda i: (i, 0)),
            pl.BlockSpec((VT, 1), lambda i: (i, 0)),
            pl.BlockSpec((1, BS), lambda i: (0, 0)),
            pl.BlockSpec((1, BS), lambda i: (0, 0)),
            pl.BlockSpec((VT * BS,), lambda i: (i,)),
        ],
        out_specs=pl.BlockSpec((VT, BS), lambda i: (i, 0)),
        out_shape=jax.ShapeDtypeStruct((N_EMB, BS), jnp.float32),
    )(w_emb, w_proj, w_u, cc, bo, bu, m, s, p1flat)


def _sc_scatter_body(sidx_hbm, vals_hbm, out_hbm, idx_v, vals_v, sem):
    wid = lax.axis_index("s") * NC + lax.axis_index("c")
    pltpu.sync_copy(sidx_hbm.at[wid], idx_v)
    pltpu.sync_copy(vals_hbm.at[wid], vals_v)

    def body(j, carry):
        pltpu.async_copy(vals_v.at[j], out_hbm.at[idx_v.at[j]], sem).wait()
        return carry

    lax.fori_loop(0, NCH, body, 0)


def _run_sc_scatter(sidx, vals, out_ref):
    mesh = plsc.VectorSubcoreMesh(
        core_axis_name="c", subcore_axis_name="s",
        num_cores=NC, num_subcores=NS)
    f = functools.partial(
        pl.kernel, mesh=mesh,
        out_type=(),
        scratch_types=[
            pltpu.VMEM((NCH, CHUNK), jnp.int32),
            pltpu.VMEM((NCH, CHUNK), jnp.float32),
            pltpu.SemaphoreType.DMA,
        ])(_sc_scatter_body)
    f(sidx, vals, out_ref)


def kernel(x, ae_t, ce_t, hd_t, cd_t, W_emb, W_proj, W_u, b_out, b_u):
    cc = jnp.concatenate([hd_t, ce_t, cd_t], axis=1)
    x2 = x[:, :, 0]
    bo = b_out.reshape(N_EMB, 1)
    bu = b_u.reshape(N_EMB, 1)

    brow = jnp.arange(BS, dtype=jnp.int32)[:, None]
    flat_idx = (x2 * BS + brow).reshape(NIDS)
    idx_s, ae_s = lax.sort((flat_idx, ae_t.reshape(NIDS)),
                           dimension=0, num_keys=1, is_stable=False)
    val = ae_s
    for k in range(1, MAXRUN + 1):
        sh_i = jnp.concatenate([idx_s[k:], jnp.full((k,), -1, jnp.int32)])
        sh_v = jnp.concatenate([ae_s[k:], jnp.zeros((k,), jnp.float32)])
        val = jnp.where(sh_i == idx_s, sh_v, val)

    p1_ref = jax.new_ref(jnp.zeros((BS * N_EMB,), jnp.float32))
    _run_sc_scatter(idx_s.reshape(NW, NCH, CHUNK),
                    val.reshape(NW, NCH, CHUNK), p1_ref)
    p1flat = p1_ref[...]

    m, s = _run_pass1(W_emb, W_proj, cc, bo)
    ot = _run_dense(W_emb, W_proj, W_u, cc, bo, bu, m, s, p1flat)
    return ot.T

# --- scband reference (transcript-rebuilt; emitter-appended) ---
"""Pipeline reference for scband-pointer-generator-29463475651505 (READ-ONLY COPY).

The authoritative reference and input builder live on the scoring server;
editing this copy changes nothing except your own understanding.
"""

import jax, jax.numpy as jnp
import numpy as np

BS, SRC, DIM, N_EMB, EMB_DIM = 1024, 200, 64, 100000, 64

def setup_inputs(seed: int = 0) -> dict:
    key = jax.random.key(seed)
    ks = jax.random.split(key, 10)
    x = jax.random.randint(ks[0], (BS, SRC, 1), 0, N_EMB, dtype=jnp.int32)
    ae_t = jax.random.uniform(ks[1], (BS, SRC), dtype=jnp.float32)
    ce_t = jax.random.normal(ks[2], (BS, DIM), dtype=jnp.float32)
    hd_t = jax.random.normal(ks[3], (BS, DIM), dtype=jnp.float32)
    cd_t = jax.random.normal(ks[4], (BS, DIM), dtype=jnp.float32)
    W_emb = jax.random.normal(ks[5], (N_EMB, EMB_DIM), dtype=jnp.float32) * 0.02
    W_proj = jax.random.normal(ks[6], (EMB_DIM, 3 * DIM), dtype=jnp.float32) * 0.05
    W_u = jax.random.normal(ks[7], (N_EMB, 3 * DIM), dtype=jnp.float32) * 0.02
    b_out = jnp.zeros((N_EMB,), dtype=jnp.float32)
    b_u = jnp.zeros((N_EMB,), dtype=jnp.float32)
    return {"x": x, "ae_t": ae_t, "ce_t": ce_t, "hd_t": hd_t, "cd_t": cd_t,
            "W_emb": W_emb, "W_proj": W_proj, "W_u": W_u, "b_out": b_out, "b_u": b_u}

def reference(x, ae_t, ce_t, hd_t, cd_t, W_emb, W_proj, W_u, b_out, b_u):
    bs, src_len, _ = x.shape
    n_emb = W_emb.shape[0]
    # Weight-shared output projection (sect. 2.4): W_out = tanh(W_emb @ W_proj)
    W_out = jnp.tanh(W_emb @ W_proj)                      # [n_emb, 3*dim]
    c_cat = jnp.concatenate([hd_t, ce_t, cd_t], axis=1)   # [bs, 3*dim]
    # Generation distribution p0 (eq. softmax over vocab)
    logits = c_cat @ W_out.T + b_out[None, :]             # [bs, n_emb]
    p0 = jax.nn.softmax(logits, axis=-1)
    # Pointer distribution p1: scatter-overwrite attention weights into vocab slots
    xi = x[:, :, 0]                                       # [bs, src]
    b_idx = jnp.broadcast_to(jnp.arange(bs)[:, None], (bs, src_len))
    p1 = jnp.zeros((bs, n_emb), dtype=ae_t.dtype).at[b_idx, xi].set(ae_t)
    # Switch gate p_u (eq. 11)
    p_u = jax.nn.sigmoid(c_cat @ W_u.T + b_u[None, :])    # [bs, n_emb]
    # Mixture (eq. 12)
    p_y = p_u * p1 + (1.0 - p_u) * p0                     # [bs, n_emb]
    return p_y

if __name__ == "__main__":
    import jax
    _d = setup_inputs()
    print(jax.jit(kernel)(*tuple(_d.values())))

</pallas_src>

<mosaic_0001>
#map = affine_map<(d0, d1) -> (0, 0, 0)>
#map1 = affine_map<(d0, d1) -> (0)>
module attributes {stable_mosaic.version = 14 : i64} {
  func.func @new_body(%arg0: i32, %arg1: i32, %arg2: memref<32x50x128xi32, #tpu.memory_space<hbm>>, %arg3: memref<32x50x128xf32, #tpu.memory_space<hbm>>, %arg4: memref<102400000xf32, #tpu.memory_space<hbm>>, %arg5: memref<102400000xf32, #tpu.memory_space<hbm>>, %arg6: memref<50x128xi32, #tpu.memory_space<vmem>>, %arg7: memref<50x128xf32, #tpu.memory_space<vmem>>, %arg8: memref<!tpu.dma_semaphore, #tpu.memory_space<semaphore_mem>>) attributes {dimension_semantics = [#tpu.dimension_semantics<core_parallel>, #tpu.dimension_semantics<subcore_parallel>], iteration_bounds = array<i64: 2, 16>, scalar_prefetch = 0 : i64, scratch_operands = 3 : i64, tpu.core_type = #tpu.core_type<sc_vector_subcore>, window_params = [{transform_indices = #map}, {transform_indices = #map}, {transform_indices = #map1}, {transform_indices = #map1}]} {
    %mul3A = arith.constant 2 : i32
    %mul3A_0 = arith.muli %arg1, %mul3A : i32
    %add3A = arith.addi %mul3A_0, %arg0 : i32
    "tpu.region"() ({
      %run_scoped3A = tpu.sem_alloc : memref<!tpu.dma_semaphore, #tpu.memory_space<semaphore_mem>>
      %dma_start3A = arith.constant 0 : i32
      %dma_start3A_6 = arith.constant 0 : i32
      %dma_start3A_7 = tpu.memref_slice %arg2[%add3A, %dma_start3A, %dma_start3A_6] : memref<32x50x128xi32, #tpu.memory_space<hbm>> -> memref<1x50x128xi32, #tpu.memory_space<hbm>>
      %dma_start3A_8 = tpu.memref_squeeze %dma_start3A_7 : memref<1x50x128xi32, #tpu.memory_space<hbm>> -> memref<50x128xi32, #tpu.memory_space<hbm>>
      %dma_start3A_9 = arith.constant 0 : i32
      %dma_start3A_10 = arith.constant 0 : i32
      %dma_start3A_11 = tpu.memref_slice %arg2[%add3A, %dma_start3A_9, %dma_start3A_10] : memref<32x50x128xi32, #tpu.memory_space<hbm>> -> memref<1x50x128xi32, #tpu.memory_space<hbm>>
      %dma_start3A_12 = tpu.memref_squeeze %dma_start3A_11 : memref<1x50x128xi32, #tpu.memory_space<hbm>> -> memref<50x128xi32, #tpu.memory_space<hbm>>
      tpu.enqueue_dma source(%dma_start3A_12 : memref<50x128xi32, #tpu.memory_space<hbm>>) target(%arg6 : memref<50x128xi32, #tpu.memory_space<vmem>>) target_semaphore(%run_scoped3A : memref<!tpu.dma_semaphore, #tpu.memory_space<semaphore_mem>>)
      %dma_wait3A = arith.constant 0 : i32
      %dma_wait3A_13 = arith.constant 0 : i32
      %dma_wait3A_14 = tpu.memref_slice %arg2[%add3A, %dma_wait3A, %dma_wait3A_13] : memref<32x50x128xi32, #tpu.memory_space<hbm>> -> memref<1x50x128xi32, #tpu.memory_space<hbm>>
      %dma_wait3A_15 = tpu.memref_squeeze %dma_wait3A_14 : memref<1x50x128xi32, #tpu.memory_space<hbm>> -> memref<50x128xi32, #tpu.memory_space<hbm>>
      %dma_wait3A_16 = arith.constant 0 : i32
      %dma_wait3A_17 = arith.constant 0 : i32
      %dma_wait3A_18 = tpu.memref_slice %arg2[%add3A, %dma_wait3A_16, %dma_wait3A_17] : memref<32x50x128xi32, #tpu.memory_space<hbm>> -> memref<1x50x128xi32, #tpu.memory_space<hbm>>
      %dma_wait3A_19 = tpu.memref_squeeze %dma_wait3A_18 : memref<1x50x128xi32, #tpu.memory_space<hbm>> -> memref<50x128xi32, #tpu.memory_space<hbm>>
      tpu.wait_dma2 semaphore(%run_scoped3A : memref<!tpu.dma_semaphore, #tpu.memory_space<semaphore_mem>>) src(%dma_wait3A_19 : memref<50x128xi32, #tpu.memory_space<hbm>>) dst(%arg6 : memref<50x128xi32, #tpu.memory_space<vmem>>)
      tpu.yield
    }) : () -> ()
    "tpu.region"() ({
      %run_scoped3A = tpu.sem_alloc : memref<!tpu.dma_semaphore, #tpu.memory_space<semaphore_mem>>
      %dma_start3A = arith.constant 0 : i32
      %dma_start3A_6 = arith.constant 0 : i32
      %dma_start3A_7 = tpu.memref_slice %arg3[%add3A, %dma_start3A, %dma_start3A_6] : memref<32x50x128xf32, #tpu.memory_space<hbm>> -> memref<1x50x128xf32, #tpu.memory_space<hbm>>
      %dma_start3A_8 = tpu.memref_squeeze %dma_start3A_7 : memref<1x50x128xf32, #tpu.memory_space<hbm>> -> memref<50x128xf32, #tpu.memory_space<hbm>>
      %dma_start3A_9 = arith.constant 0 : i32
      %dma_start3A_10 = arith.constant 0 : i32
      %dma_start3A_11 = tpu.memref_slice %arg3[%add3A, %dma_start3A_9, %dma_start3A_10] : memref<32x50x128xf32, #tpu.memory_space<hbm>> -> memref<1x50x128xf32, #tpu.memory_space<hbm>>
      %dma_start3A_12 = tpu.memref_squeeze %dma_start3A_11 : memref<1x50x128xf32, #tpu.memory_space<hbm>> -> memref<50x128xf32, #tpu.memory_space<hbm>>
      tpu.enqueue_dma source(%dma_start3A_12 : memref<50x128xf32, #tpu.memory_space<hbm>>) target(%arg7 : memref<50x128xf32, #tpu.memory_space<vmem>>) target_semaphore(%run_scoped3A : memref<!tpu.dma_semaphore, #tpu.memory_space<semaphore_mem>>)
      %dma_wait3A = arith.constant 0 : i32
      %dma_wait3A_13 = arith.constant 0 : i32
      %dma_wait3A_14 = tpu.memref_slice %arg3[%add3A, %dma_wait3A, %dma_wait3A_13] : memref<32x50x128xf32, #tpu.memory_space<hbm>> -> memref<1x50x128xf32, #tpu.memory_space<hbm>>
      %dma_wait3A_15 = tpu.memref_squeeze %dma_wait3A_14 : memref<1x50x128xf32, #tpu.memory_space<hbm>> -> memref<50x128xf32, #tpu.memory_space<hbm>>
      %dma_wait3A_16 = arith.constant 0 : i32
      %dma_wait3A_17 = arith.constant 0 : i32
      %dma_wait3A_18 = tpu.memref_slice %arg3[%add3A, %dma_wait3A_16, %dma_wait3A_17] : memref<32x50x128xf32, #tpu.memory_space<hbm>> -> memref<1x50x128xf32, #tpu.memory_space<hbm>>
      %dma_wait3A_19 = tpu.memref_squeeze %dma_wait3A_18 : memref<1x50x128xf32, #tpu.memory_space<hbm>> -> memref<50x128xf32, #tpu.memory_space<hbm>>
      tpu.wait_dma2 semaphore(%run_scoped3A : memref<!tpu.dma_semaphore, #tpu.memory_space<semaphore_mem>>) src(%dma_wait3A_19 : memref<50x128xf32, #tpu.memory_space<hbm>>) dst(%arg7 : memref<50x128xf32, #tpu.memory_space<vmem>>)
      tpu.yield
    }) : () -> ()
    %scan3A = arith.constant 0 : i32
    %scan3A_1 = arith.constant 0 : i32
    %scan3A_2 = arith.constant 50 : i32
    %scan3A_3 = arith.addi %scan3A_1, %scan3A_2 : i32
    %scan3A_4 = arith.constant 1 : i32
    scf.for %scan3A_6 = %scan3A_1 to %scan3A_3 step %scan3A_4  : i32 {
      %dma_start3A = arith.constant 0 : i32
      %dma_start3A_7 = tpu.memref_slice %arg7[%scan3A_6, %dma_start3A] : memref<50x128xf32, #tpu.memory_space<vmem>> -> memref<1x128xf32, #tpu.memory_space<vmem>>
      %dma_start3A_8 = tpu.memref_squeeze %dma_start3A_7 : memref<1x128xf32, #tpu.memory_space<vmem>> -> memref<128xf32, #tpu.memory_space<vmem>>
      %dma_start3A_9 = arith.constant 0 : i32
      %dma_start3A_10 = tpu.memref_slice %arg6[%scan3A_6, %dma_start3A_9] : memref<50x128xi32, #tpu.memory_space<vmem>> -> memref<1x128xi32, #tpu.memory_space<vmem>>
      %dma_start3A_11 = tpu.memref_squeeze %dma_start3A_10 : memref<1x128xi32, #tpu.memory_space<vmem>> -> memref<128xi32, #tpu.memory_space<vmem>>
      %dma_start3A_12 = arith.constant 0 : i32
      %dma_start3A_13 = tpu.memref_slice %arg4[%dma_start3A_12] : memref<102400000xf32, #tpu.memory_space<hbm>> -> memref<102400000xf32, #tpu.memory_space<hbm>>
      tpu.enqueue_indirect_dma source(%dma_start3A_8 : memref<128xf32, #tpu.memory_space<vmem>>) target(%dma_start3A_13 : memref<102400000xf32, #tpu.memory_space<hbm>>) offsets(%dma_start3A_11 : memref<128xi32, #tpu.memory_space<vmem>>) semaphore(%arg8 : memref<!tpu.dma_semaphore, #tpu.memory_space<semaphore_mem>>)
      %dma_wait3A = arith.constant 0 : i32
      %dma_wait3A_14 = tpu.memref_slice %arg7[%scan3A_6, %dma_wait3A] : memref<50x128xf32, #tpu.memory_space<vmem>> -> memref<1x128xf32, #tpu.memory_space<vmem>>
      %dma_wait3A_15 = tpu.memref_squeeze %dma_wait3A_14 : memref<1x128xf32, #tpu.memory_space<vmem>> -> memref<128xf32, #tpu.memory_space<vmem>>
      %dma_wait3A_16 = arith.constant 0 : i32
      %dma_wait3A_17 = tpu.memref_slice %arg6[%scan3A_6, %dma_wait3A_16] : memref<50x128xi32, #tpu.memory_space<vmem>> -> memref<1x128xi32, #tpu.memory_space<vmem>>
      %dma_wait3A_18 = tpu.memref_squeeze %dma_wait3A_17 : memref<1x128xi32, #tpu.memory_space<vmem>> -> memref<128xi32, #tpu.memory_space<vmem>>
      %dma_wait3A_19 = arith.constant 0 : i32
      %dma_wait3A_20 = tpu.memref_slice %arg4[%dma_wait3A_19] : memref<102400000xf32, #tpu.memory_space<hbm>> -> memref<102400000xf32, #tpu.memory_space<hbm>>
      tpu.wait_indirect_dma semaphore(%arg8 : memref<!tpu.dma_semaphore, #tpu.memory_space<semaphore_mem>>) src(%dma_wait3A_15 : memref<128xf32, #tpu.memory_space<vmem>>) dst(%dma_wait3A_20 : memref<102400000xf32, #tpu.memory_space<hbm>>)
    }
    %scan3A_5 = arith.constant 50 : i32
    return
  }
}

module attributes {stable_mosaic.version = 14 : i64} {
  func.func @_pass1_body(%arg0: i32, %arg1: memref<1024x64xf32, #tpu.memory_space<vmem>>, %arg2: memref<64x192xf32, #tpu.memory_space<vmem>>, %arg3: memref<1024x192xf32, #tpu.memory_space<vmem>>, %arg4: memref<1024x1xf32, #tpu.memory_space<vmem>>, %arg5: memref<1x1024xf32, #tpu.memory_space<vmem>>, %arg6: memref<1x1024xf32, #tpu.memory_space<vmem>>) attributes {dimension_semantics = [#tpu.dimension_semantics<arbitrary>], iteration_bounds = array<i64: 98>, scalar_prefetch = 0 : i64, scratch_operands = 0 : i64, tpu.core_type = #tpu.core_type<tc>, window_params = [{transform_indices = @transform_0, window_bounds = array<i64: 1024, 64>}, {pipeline_mode = #tpu.pipeline_mode<synchronous>, transform_indices = @transform_1, window_bounds = array<i64: 64, 192>}, {pipeline_mode = #tpu.pipeline_mode<synchronous>, transform_indices = @transform_2, window_bounds = array<i64: 1024, 192>}, {transform_indices = @transform_3, window_bounds = array<i64: 1024, 1>}, {pipeline_mode = #tpu.pipeline_mode<synchronous>, transform_indices = @transform_4, window_bounds = array<i64: 1, 1024>}, {pipeline_mode = #tpu.pipeline_mode<synchronous>, transform_indices = @transform_5, window_bounds = array<i64: 1, 1024>}]} {
    %get3A = arith.constant 0 : index
    %get3A_0 = arith.constant 0 : index
    %get3A_1 = vector.load %arg1[%get3A, %get3A_0] : memref<1024x64xf32, #tpu.memory_space<vmem>>, vector<1024x64xf32>
    %convert_element_type3A = arith.truncf %get3A_1 : vector<1024x64xf32> to vector<1024x64xbf16>
    %get3A_2 = arith.constant 0 : index
    %get3A_3 = arith.constant 0 : index
    %get3A_4 = vector.load %arg2[%get3A_2, %get3A_3] : memref<64x192xf32, #tpu.memory_space<vmem>>, vector<64x192xf32>
    %convert_element_type3A_5 = arith.truncf %get3A_4 : vector<64x192xf32> to vector<64x192xbf16>
    %dot_general3A = arith.constant dense<0.000000e+00> : vector<1024x192xf32>
    %dot_general3A_6 = tpu.matmul %convert_element_type3A, %convert_element_type3A_5, %dot_general3A {dimension_numbers = #tpu.dot_dimension_numbers<[1], [0], [0], [1], [0, 0, 1, 1], [], []>, transpose_lhs_hint = false} : vector<1024x64xbf16>, vector<64x192xbf16>, vector<1024x192xf32> -> vector<1024x192xf32>
    %tanh3A = math.tanh %dot_general3A_6 : vector<1024x192xf32>
    %convert_element_type3A_7 = arith.truncf %tanh3A : vector<1024x192xf32> to vector<1024x192xbf16>
    %get3A_8 = arith.constant 0 : index
    %get3A_9 = arith.constant 0 : index
    %get3A_10 = vector.load %arg3[%get3A_8, %get3A_9] : memref<1024x192xf32, #tpu.memory_space<vmem>>, vector<1024x192xf32>
    %convert_element_type3A_11 = arith.truncf %get3A_10 : vector<1024x192xf32> to vector<1024x192xbf16>
    %dot_general3A_12 = arith.constant dense<0.000000e+00> : vector<1024x1024xf32>
    %dot_general3A_13 = tpu.matmul %convert_element_type3A_7, %convert_element_type3A_11, %dot_general3A_12 {dimension_numbers = #tpu.dot_dimension_numbers<[1], [1], [0], [0], [0, 0, 1, 0], [], []>, transpose_lhs_hint = false} : vector<1024x192xbf16>, vector<1024x192xbf16>, vector<1024x1024xf32> -> vector<1024x1024xf32>
    %get3A_14 = arith.constant 0 : index
    %get3A_15 = arith.constant 0 : index
    %get3A_16 = vector.load %arg4[%get3A_14, %get3A_15] : memref<1024x1xf32, #tpu.memory_space<vmem>>, vector<1024x1xf32>
    %add3A = vector.broadcast %get3A_16 : vector<1024x1xf32> to vector<1024x1024xf32>
    %add3A_17 = arith.addf %dot_general3A_13, %add3A : vector<1024x1024xf32>
    %mul3A = arith.constant 1024 : i32
    %mul3A_18 = arith.muli %arg0, %mul3A : i32
    %iota3A = tpu.iota {dimensions = array<i32: 0>} : vector<1024x1024xi32>
    %add3A_19 = vector.broadcast %mul3A_18 : i32 to vector<1024x1024xi32>
    %add3A_20 = arith.addi %add3A_19, %iota3A : vector<1024x1024xi32>
    %lt3A = arith.constant 100000 : i32
    %lt3A_21 = vector.broadcast %lt3A : i32 to vector<1024x1024xi32>
    %lt3A_22 = arith.cmpi slt, %add3A_20, %lt3A_21 : vector<1024x1024xi32>
    %jit3A = arith.constant -1.000000e+30 : f32
    %broadcast_in_dim3A = vector.broadcast %jit3A : f32 to vector<1024x1024xf32>
    %select_n3A = arith.select %lt3A_22, %add3A_17, %broadcast_in_dim3A : vector<1024x1024xi1>, vector<1024x1024xf32>
    %eq3A = arith.constant 0 : i32
    %eq3A_23 = arith.cmpi eq, %arg0, %eq3A : i32
    %convert_element_type3A_24 = arith.extui %eq3A_23 : i1 to i32
    %cond3A = arith.constant 0 : i32
    %cond3A_25 = arith.cmpi ne, %convert_element_type3A_24, %cond3A : i32
    scf.if %cond3A_25 {
      %broadcast_in_dim3A_46 = arith.constant -1.000000e+30 : f32
      %broadcast_in_dim3A_47 = vector.broadcast %broadcast_in_dim3A_46 : f32 to vector<1x1024xf32>
      %swap3A_48 = arith.constant 0 : index
      %swap3A_49 = arith.constant 0 : index
      %swap3A_50 = vector.load %arg5[%swap3A_48, %swap3A_49] : memref<1x1024xf32, #tpu.memory_space<vmem>>, vector<1x1024xf32>
      tpu.vector_store %arg5[%swap3A_48, %swap3A_49], %broadcast_in_dim3A_47 {strides = array<i32>} : memref<1x1024xf32, #tpu.memory_space<vmem>>, vector<1x1024xf32>,
      %broadcast_in_dim3A_51 = arith.constant 0.000000e+00 : f32
      %broadcast_in_dim3A_52 = vector.broadcast %broadcast_in_dim3A_51 : f32 to vector<1x1024xf32>
      %swap3A_53 = arith.constant 0 : index
      %swap3A_54 = arith.constant 0 : index
      %swap3A_55 = vector.load %arg6[%swap3A_53, %swap3A_54] : memref<1x1024xf32, #tpu.memory_space<vmem>>, vector<1x1024xf32>
      tpu.vector_store %arg6[%swap3A_53, %swap3A_54], %broadcast_in_dim3A_52 {strides = array<i32>} : memref<1x1024xf32, #tpu.memory_space<vmem>>, vector<1x1024xf32>,
    } else {
    }
    %get3A_26 = arith.constant 0 : index
    %get3A_27 = arith.constant 0 : index
    %get3A_28 = vector.load %arg5[%get3A_26, %get3A_27] : memref<1x1024xf32, #tpu.memory_space<vmem>>, vector<1x1024xf32>
    %reduce_max3A = arith.constant dense<0xFF800000> : vector<1024xf32>
    %reduce_max3A_29 = vector.multi_reduction <maximumf>, %select_n3A, %reduce_max3A [0] : vector<1024x1024xf32> to vector<1024xf32>
    %broadcast_in_dim3A_30 = vector.shape_cast %reduce_max3A_29 : vector<1024xf32> to vector<1x1024xf32>
    %max3A = arith.maximumf %get3A_28, %broadcast_in_dim3A_30 : vector<1x1024xf32>
    %sub3A = vector.broadcast %max3A : vector<1x1024xf32> to vector<1024x1024xf32>
    %sub3A_31 = arith.subf %select_n3A, %sub3A : vector<1024x1024xf32>
    %exp3A = math.exp %sub3A_31 : vector<1024x1024xf32>
    %get3A_32 = arith.constant 0 : index
    %get3A_33 = arith.constant 0 : index
    %get3A_34 = vector.load %arg6[%get3A_32, %get3A_33] : memref<1x1024xf32, #tpu.memory_space<vmem>>, vector<1x1024xf32>
    %sub3A_35 = arith.subf %get3A_28, %max3A : vector<1x1024xf32>
    %exp3A_36 = math.exp %sub3A_35 : vector<1x1024xf32>
    %mul3A_37 = arith.mulf %get3A_34, %exp3A_36 : vector<1x1024xf32>
    %reduce_sum3A = arith.constant dense<0.000000e+00> : vector<1024xf32>
    %reduce_sum3A_38 = vector.multi_reduction <add>, %exp3A, %reduce_sum3A [0] : vector<1024x1024xf32> to vector<1024xf32>
    %broadcast_in_dim3A_39 = vector.shape_cast %reduce_sum3A_38 : vector<1024xf32> to vector<1x1024xf32>
    %add3A_40 = arith.addf %mul3A_37, %broadcast_in_dim3A_39 : vector<1x1024xf32>
    %swap3A = arith.constant 0 : index
    %swap3A_41 = arith.constant 0 : index
    %swap3A_42 = vector.load %arg6[%swap3A, %swap3A_41] : memref<1x1024xf32, #tpu.memory_space<vmem>>, vector<1x1024xf32>
    tpu.vector_store %arg6[%swap3A, %swap3A_41], %add3A_40 {strides = array<i32>} : memref<1x1024xf32, #tpu.memory_space<vmem>>, vector<1x1024xf32>,
    %swap3A_43 = arith.constant 0 : index
    %swap3A_44 = arith.constant 0 : index
    %swap3A_45 = vector.load %arg5[%swap3A_43, %swap3A_44] : memref<1x1024xf32, #tpu.memory_space<vmem>>, vector<1x1024xf32>
    tpu.vector_store %arg5[%swap3A_43, %swap3A_44], %max3A {strides = array<i32>} : memref<1x1024xf32, #tpu.memory_space<vmem>>, vector<1x1024xf32>,
    return
  }
  func.func @transform_0(%arg0: i32) -> (i32, i32) {
    %c0_i32 = arith.constant 0 : i32
    %c0_i32_0 = arith.constant 0 : i32
    return %arg0, %c0_i32 : i32, i32
  }
  func.func @transform_1(%arg0: i32) -> (i32, i32) {
    %c0_i32 = arith.constant 0 : i32
    %c0_i32_0 = arith.constant 0 : i32
    %c0_i32_1 = arith.constant 0 : i32
    return %c0_i32, %c0_i32_0 : i32, i32
  }
  func.func @transform_2(%arg0: i32) -> (i32, i32) {
    %c0_i32 = arith.constant 0 : i32
    %c0_i32_0 = arith.constant 0 : i32
    %c0_i32_1 = arith.constant 0 : i32
    return %c0_i32, %c0_i32_0 : i32, i32
  }
  func.func @transform_3(%arg0: i32) -> (i32, i32) {
    %c0_i32 = arith.constant 0 : i32
    %c0_i32_0 = arith.constant 0 : i32
    return %arg0, %c0_i32 : i32, i32
  }
  func.func @transform_4(%arg0: i32) -> (i32, i32) {
    %c0_i32 = arith.constant 0 : i32
    %c0_i32_0 = arith.constant 0 : i32
    %c0_i32_1 = arith.constant 0 : i32
    return %c0_i32, %c0_i32_0 : i32, i32
  }
  func.func @transform_5(%arg0: i32) -> (i32, i32) {
    %c0_i32 = arith.constant 0 : i32
    %c0_i32_0 = arith.constant 0 : i32
    %c0_i32_1 = arith.constant 0 : i32
    return %c0_i32, %c0_i32_0 : i32, i32
  }
}

module attributes {stable_mosaic.version = 14 : i64} {
  func.func @_dense_body(%arg0: i32, %arg1: memref<1024x64xf32, #tpu.memory_space<vmem>>, %arg2: memref<64x192xf32, #tpu.memory_space<vmem>>, %arg3: memref<1024x192xf32, #tpu.memory_space<vmem>>, %arg4: memref<1024x192xf32, #tpu.memory_space<vmem>>, %arg5: memref<1024x1xf32, #tpu.memory_space<vmem>>, %arg6: memref<1024x1xf32, #tpu.memory_space<vmem>>, %arg7: memref<1x1024xf32, #tpu.memory_space<vmem>>, %arg8: memref<1x1024xf32, #tpu.memory_space<vmem>>, %arg9: memref<1048576xf32, #tpu.memory_space<vmem>>, %arg10: memref<1024x1024xf32, #tpu.memory_space<vmem>>) attributes {dimension_semantics = [#tpu.dimension_semantics<arbitrary>], iteration_bounds = array<i64: 98>, scalar_prefetch = 0 : i64, scratch_operands = 0 : i64, tpu.core_type = #tpu.core_type<tc>, window_params = [{transform_indices = @transform_0, window_bounds = array<i64: 1024, 64>}, {pipeline_mode = #tpu.pipeline_mode<synchronous>, transform_indices = @transform_1, window_bounds = array<i64: 64, 192>}, {transform_indices = @transform_2, window_bounds = array<i64: 1024, 192>}, {pipeline_mode = #tpu.pipeline_mode<synchronous>, transform_indices = @transform_3, window_bounds = array<i64: 1024, 192>}, {transform_indices = @transform_4, window_bounds = array<i64: 1024, 1>}, {transform_indices = @transform_5, window_bounds = array<i64: 1024, 1>}, {pipeline_mode = #tpu.pipeline_mode<synchronous>, transform_indices = @transform_6, window_bounds = array<i64: 1, 1024>}, {pipeline_mode = #tpu.pipeline_mode<synchronous>, transform_indices = @transform_7, window_bounds = array<i64: 1, 1024>}, {transform_indices = @transform_8, window_bounds = array<i64: 1048576>}, {transform_indices = @transform_9, window_bounds = array<i64: 1024, 1024>}]} {
    %get3A = arith.constant 0 : index
    %get3A_0 = arith.constant 0 : index
    %get3A_1 = vector.load %arg4[%get3A, %get3A_0] : memref<1024x192xf32, #tpu.memory_space<vmem>>, vector<1024x192xf32>
    %convert_element_type3A = arith.truncf %get3A_1 : vector<1024x192xf32> to vector<1024x192xbf16>
    %get3A_2 = arith.constant 0 : index
    %get3A_3 = arith.constant 0 : index
    %get3A_4 = vector.load %arg1[%get3A_2, %get3A_3] : memref<1024x64xf32, #tpu.memory_space<vmem>>, vector<1024x64xf32>
    %convert_element_type3A_5 = arith.truncf %get3A_4 : vector<1024x64xf32> to vector<1024x64xbf16>
    %get3A_6 = arith.constant 0 : index
    %get3A_7 = arith.constant 0 : index
    %get3A_8 = vector.load %arg2[%get3A_6, %get3A_7] : memref<64x192xf32, #tpu.memory_space<vmem>>, vector<64x192xf32>
    %convert_element_type3A_9 = arith.truncf %get3A_8 : vector<64x192xf32> to vector<64x192xbf16>
    %dot_general3A = arith.constant dense<0.000000e+00> : vector<1024x192xf32>
    %dot_general3A_10 = tpu.matmul %convert_element_type3A_5, %convert_element_type3A_9, %dot_general3A {dimension_numbers = #tpu.dot_dimension_numbers<[1], [0], [0], [1], [0, 0, 1, 1], [], []>, transpose_lhs_hint = false} : vector<1024x64xbf16>, vector<64x192xbf16>, vector<1024x192xf32> -> vector<1024x192xf32>
    %tanh3A = math.tanh %dot_general3A_10 : vector<1024x192xf32>
    %convert_element_type3A_11 = arith.truncf %tanh3A : vector<1024x192xf32> to vector<1024x192xbf16>
    %dot_general3A_12 = arith.constant dense<0.000000e+00> : vector<1024x1024xf32>
    %dot_general3A_13 = tpu.matmul %convert_element_type3A_11, %convert_element_type3A, %dot_general3A_12 {dimension_numbers = #tpu.dot_dimension_numbers<[1], [1], [0], [0], [0, 0, 1, 0], [], []>, transpose_lhs_hint = false} : vector<1024x192xbf16>, vector<1024x192xbf16>, vector<1024x1024xf32> -> vector<1024x1024xf32>
    %get3A_14 = arith.constant 0 : index
    %get3A_15 = arith.constant 0 : index
    %get3A_16 = vector.load %arg5[%get3A_14, %get3A_15] : memref<1024x1xf32, #tpu.memory_space<vmem>>, vector<1024x1xf32>
    %add3A = vector.broadcast %get3A_16 : vector<1024x1xf32> to vector<1024x1024xf32>
    %add3A_17 = arith.addf %dot_general3A_13, %add3A : vector<1024x1024xf32>
    %get3A_18 = arith.constant 0 : index
    %get3A_19 = arith.constant 0 : index
    %get3A_20 = vector.load %arg7[%get3A_18, %get3A_19] : memref<1x1024xf32, #tpu.memory_space<vmem>>, vector<1x1024xf32>
    %sub3A = vector.broadcast %get3A_20 : vector<1x1024xf32> to vector<1024x1024xf32>
    %sub3A_21 = arith.subf %add3A_17, %sub3A : vector<1024x1024xf32>
    %exp3A = math.exp %sub3A_21 : vector<1024x1024xf32>
    %get3A_22 = arith.constant 0 : index
    %get3A_23 = arith.constant 0 : index
    %get3A_24 = vector.load %arg8[%get3A_22, %get3A_23] : memref<1x1024xf32, #tpu.memory_space<vmem>>, vector<1x1024xf32>
    %div3A = arith.constant 1.000000e+00 : f32
    %div3A_25 = vector.broadcast %div3A : f32 to vector<1x1024xf32>
    %div3A_26 = arith.divf %div3A_25, %get3A_24 : vector<1x1024xf32>
    %mul3A = vector.broadcast %div3A_26 : vector<1x1024xf32> to vector<1024x1024xf32>
    %mul3A_27 = arith.mulf %exp3A, %mul3A : vector<1024x1024xf32>
    %get3A_28 = arith.constant 0 : index
    %get3A_29 = arith.constant 0 : index
    %get3A_30 = vector.load %arg3[%get3A_28, %get3A_29] : memref<1024x192xf32, #tpu.memory_space<vmem>>, vector<1024x192xf32>
    %convert_element_type3A_31 = arith.truncf %get3A_30 : vector<1024x192xf32> to vector<1024x192xbf16>
    %dot_general3A_32 = arith.constant dense<0.000000e+00> : vector<1024x1024xf32>
    %dot_general3A_33 = tpu.matmul %convert_element_type3A_31, %convert_element_type3A, %dot_general3A_32 {dimension_numbers = #tpu.dot_dimension_numbers<[1], [1], [0], [0], [0, 0, 1, 0], [], []>, transpose_lhs_hint = false} : vector<1024x192xbf16>, vector<1024x192xbf16>, vector<1024x1024xf32> -> vector<1024x1024xf32>
    %get3A_34 = arith.constant 0 : index
    %get3A_35 = arith.constant 0 : index
    %get3A_36 = vector.load %arg6[%get3A_34, %get3A_35] : memref<1024x1xf32, #tpu.memory_space<vmem>>, vector<1024x1xf32>
    %add3A_37 = vector.broadcast %get3A_36 : vector<1024x1xf32> to vector<1024x1024xf32>
    %add3A_38 = arith.addf %dot_general3A_33, %add3A_37 : vector<1024x1024xf32>
    %logistic3A = arith.negf %add3A_38 : vector<1024x1024xf32>
    %logistic3A_39 = math.exp %logistic3A : vector<1024x1024xf32>
    %logistic3A_40 = arith.constant 1.000000e+00 : f32
    %logistic3A_41 = vector.broadcast %logistic3A_40 : f32 to vector<1024x1024xf32>
    %logistic3A_42 = arith.addf %logistic3A_41, %logistic3A_39 : vector<1024x1024xf32>
    %logistic3A_43 = arith.divf %logistic3A_41, %logistic3A_42 : vector<1024x1024xf32>
    %get3A_44 = arith.constant 0 : index
    %get3A_45 = vector.load %arg9[%get3A_44] : memref<1048576xf32, #tpu.memory_space<vmem>>, vector<1048576xf32>
    %reshape3A = vector.shape_cast %get3A_45 : vector<1048576xf32> to vector<1024x1024xf32>
    %mul3A_46 = arith.mulf %logistic3A_43, %reshape3A : vector<1024x1024xf32>
    %sub3A_47 = arith.constant 1.000000e+00 : f32
    %sub3A_48 = vector.broadcast %sub3A_47 : f32 to vector<1024x1024xf32>
    %sub3A_49 = arith.subf %sub3A_48, %logistic3A_43 : vector<1024x1024xf32>
    %mul3A_50 = arith.mulf %sub3A_49, %mul3A_27 : vector<1024x1024xf32>
    %add3A_51 = arith.addf %mul3A_46, %mul3A_50 : vector<1024x1024xf32>
    %swap3A = arith.constant 0 : index
    %swap3A_52 = arith.constant 0 : index
    %swap3A_53 = vector.load %arg10[%swap3A, %swap3A_52] : memref<1024x1024xf32, #tpu.memory_space<vmem>>, vector<1024x1024xf32>
    tpu.vector_store %arg10[%swap3A, %swap3A_52], %add3A_51 {strides = array<i32>} : memref<1024x1024xf32, #tpu.memory_space<vmem>>, vector<1024x1024xf32>,
    return
  }
  func.func @transform_0(%arg0: i32) -> (i32, i32) {
    %c0_i32 = arith.constant 0 : i32
    %c0_i32_0 = arith.constant 0 : i32
    return %arg0, %c0_i32 : i32, i32
  }
  func.func @transform_1(%arg0: i32) -> (i32, i32) {
    %c0_i32 = arith.constant 0 : i32
    %c0_i32_0 = arith.constant 0 : i32
    %c0_i32_1 = arith.constant 0 : i32
    return %c0_i32, %c0_i32_0 : i32, i32
  }
  func.func @transform_2(%arg0: i32) -> (i32, i32) {
    %c0_i32 = arith.constant 0 : i32
    %c0_i32_0 = arith.constant 0 : i32
    return %arg0, %c0_i32 : i32, i32
  }
  func.func @transform_3(%arg0: i32) -> (i32, i32) {
    %c0_i32 = arith.constant 0 : i32
    %c0_i32_0 = arith.constant 0 : i32
    %c0_i32_1 = arith.constant 0 : i32
    return %c0_i32, %c0_i32_0 : i32, i32
  }
  func.func @transform_4(%arg0: i32) -> (i32, i32) {
    %c0_i32 = arith.constant 0 : i32
    %c0_i32_0 = arith.constant 0 : i32
    return %arg0, %c0_i32 : i32, i32
  }
  func.func @transform_5(%arg0: i32) -> (i32, i32) {
    %c0_i32 = arith.constant 0 : i32
    %c0_i32_0 = arith.constant 0 : i32
    return %arg0, %c0_i32 : i32, i32
  }
  func.func @transform_6(%arg0: i32) -> (i32, i32) {
    %c0_i32 = arith.constant 0 : i32
    %c0_i32_0 = arith.constant 0 : i32
    %c0_i32_1 = arith.constant 0 : i32
    return %c0_i32, %c0_i32_0 : i32, i32
  }
  func.func @transform_7(%arg0: i32) -> (i32, i32) {
    %c0_i32 = arith.constant 0 : i32
    %c0_i32_0 = arith.constant 0 : i32
    %c0_i32_1 = arith.constant 0 : i32
    return %c0_i32, %c0_i32_0 : i32, i32
  }
  func.func @transform_8(%arg0: i32) -> i32 {
    %c0_i32 = arith.constant 0 : i32
    return %arg0 : i32
  }
  func.func @transform_9(%arg0: i32) -> (i32, i32) {
    %c0_i32 = arith.constant 0 : i32
    %c0_i32_0 = arith.constant 0 : i32
    return %arg0, %c0_i32 : i32, i32
  }
}

</mosaic_0001>

<sc_bundles>
// kernel: kernel.5.cloned.1.call-start
scs
__scs_entry_jumppad:
0x0: {  	(pc) =	sbr.rel $0x88, $3  }
0x1: {  	(tag) =	ssettag $0x0;
	lr =	simm.s32 $0x1  }
0x2: {  	[smem:$0x3F97] =	sst lr;
	_ =	strace $0xD0000000  }
0x3: {  	_ = 	snop  }
0x4: {  	_ = 	snop  }
0x5: {  	_ = 	snop  }
0x6: {  	_ = 	snop  }
0x7: {  	_ = 	snop  }
__scs_overlays_trampoline_lowered:
0x8: {  	[smem:$0x3FA6] =	sst s0  }
0x9: {  	[smem:$0x3FA7] =	sst s1  }
0xa: {  	[smem:$0x3FA8] =	sst s2  }
0xb: {  	[smem:$0x3FA9] =	sst s3  }
0xc: {  	[smem:$0x3FAA] =	sst s4  }
0xd: {  	[smem:$0x3FAB] =	sst s5  }
0xe: {  	[smem:$0x3FAC] =	sst s6  }
0xf: {  	[smem:$0x3FAD] =	sst s7  }
0x10: {  	[smem:$0x3FAE] =	sst s8  }
0x11: {  	[smem:$0x3FAF] =	sst s9;
	s0 =	simm.s32 @!p0 $0x0  }
0x12: {  	s1 =	sld [smem:$0x3F95];
	s0 =	simm.s32 @p0 $0x1  }
0x13: {  	[smem:$0x3FB0] =	sst s0;
	s0 =	simm.s32 @!p1 $0x0  }
0x14: {  	s2 =	sld [smem:$0x3F94];
	s0 =	simm.s32 @p1 $0x1  }
0x15: {  	[smem:$0x3FB1] =	sst s0;
	s0 =	simm.s32 @!p2 $0x0  }
0x16: {  	s3 =	sld [smem:$0x3FDB];
	s0 =	simm.s32 @p2 $0x1  }
0x17: {  	s4 =	simm.s32 $0x1BF5;
	[smem:$0x3FB3] =	sst s0  }
0x18: {  	s0 =	sld [smem:$0x3F96];
	_ =	swait.ge [sflag:s4], $0x0  }
0x19: {  	s7 =	sld [smem:$0x3F97]  }
0x1a: {  	s8 =	sadd.s32 $0xFFFFE003, lr  }
0x1b: {  	s9 =	sadd.s32 $0xFFFFFEF7, lr;
	s5 =	simm.s32 $0xFFFFFFFF;
	p2 =	slt.u32 s8, $0xFFFFF086  }
0x1c: {  	p1 =	slt.u32 s9, $0xF7A;
	s5 =	simm.s32 @!p2 $0x0  }
0x1d: {  	s5 =	simm.s32 @p1 $0x1;
	p0 =	seq.s32 s7, s2  }
0x1e: {  	s7 =	smul.u32 @!p0 $0xF7A, s2;
	p2 =	seq.s32 @!p0 s5, $0x0  }
0x1f: {  	s9 =	smul.u32 $0xF7A, s1;
	s8 =	simm.s32 @!p0 $0x1BF5;
	p2 =	por !p2, p0  }
0x20: {  	[sflag:s8] =	ssyncset.s32 @!p0 $0xFFFFF086;
	s6 =	sadd.s32 @!p0 s3, s7;
	s7 =	simm.s32 @!p0 $0x108  }
0x21: {  	s3 =	sadd.s32 s3, s9;
	s6 =	sadd.s32 @!p0 $0x88, s6;
	s7 =	simm.s32 @p2 $0x1082  }
0x22: {  	[simem:s7], [sflag:s8] =	dma.local @!p0 [hbm:s6], $0xF7A  }
0x23: {  	s9 =	sor.u32 $0xD0000000, s2;
	s6 =	simm.s32 $0x108;
	_ =	swait.ge @!p0 [sflag:s8], $0x0  }
0x24: {  	s3 =	sadd.s32 $0x88, s3;
	s6 =	simm.s32 @!p1 $0x1082;
	[sflag:s4] =	ssyncset.s32 $0xFFFFF086  }
0x25: {  	[simem:s6], [sflag:s4] =	dma.local [hbm:s3], $0xF7A  }
0x26: {  	[smem:$0x3F97] =	sst s1;
	(tag) =	ssettag s2;
	_ =	strace s9  }
0x27: {  	s1 =	sld [smem:$0x3FA7]  }
0x28: {  	s2 =	sld [smem:$0x3FA8]  }
0x29: {  	s4 =	sld [smem:$0x3FAA]  }
0x2a: {  	p0 =	seq.s32 s5, $0x0;
	s5 =	sld [smem:$0x3FAB]  }
0x2b: {  	s6 =	sld [smem:$0x3FAC]  }
0x2c: {  	s7 =	sld [smem:$0x3FAD]  }
0x2d: {  	s3 =	simm.s32 $0x108;
	s8 =	sld [smem:$0x3FAE]  }
0x2e: {  	s3 =	simm.s32 @!p0 $0x1082;
	s9 =	sld [smem:$0x3FAF]  }
0x2f: {  	lr =	sadd.s32 s0, s3;
	s0 =	sld [smem:$0x3FA6]  }
0x30: {  	s3 =	sld [smem:$0x3FA9]  }
0x31: {  	[smem:$0x3FB2] =	sst s10  }
0x32: {  	s10 =	sld [smem:$0x3FB0];
	_ =	sdelay $0x3  }
0x33: {  	p0 =	seq.s32 s10, $0x1;
	s10 =	sld [smem:$0x3FB2];
	_ =	sdelay $0x3  }
0x34: {  	[smem:$0x3FB2] =	sst s10  }
0x35: {  	s10 =	sld [smem:$0x3FB1];
	_ =	sdelay $0x3  }
0x36: {  	p1 =	seq.s32 s10, $0x1;
	s10 =	sld [smem:$0x3FB2];
	_ =	sdelay $0x3  }
0x37: {  	[smem:$0x3FB2] =	sst s10  }
0x38: {  	s10 =	sld [smem:$0x3FB3]  }
0x39: {  	_ = 	snop;
	(pc) =	sbr.ind lr, $3  }
0x3a: {  	_ = 	snop  }
0x3b: {  	_ = 	snop  }
0x3c: {  	p2 =	seq.s32 s10, $0x1;
	s10 =	sld [smem:$0x3FB2]  }
0x3d: {  	_ =	shalt  }
0x3e: {  	_ =	shalt  }
0x3f: {  	_ =	shalt  }
0x40: {  	_ =	shalt  }
0x41: {  	_ =	shalt  }
0x42: {  	_ =	shalt  }
0x43: {  	_ =	shalt  }
0x44: {  	_ =	shalt  }
0x45: {  	_ =	shalt  }
0x46: {  	_ =	shalt  }
0x47: {  	_ =	shalt  }
0x48: {  	_ =	shalt  }
0x49: {  	_ =	shalt  }
0x4a: {  	_ =	shalt  }
0x4b: {  	_ =	shalt  }
0x4c: {  	_ =	shalt  }
0x4d: {  	_ =	shalt  }
0x4e: {  	_ =	shalt  }
0x4f: {  	_ =	shalt  }
0x50: {  	_ =	shalt  }
0x51: {  	_ =	shalt  }
0x52: {  	_ =	shalt  }
0x53: {  	_ =	shalt  }
0x54: {  	_ =	shalt  }
0x55: {  	_ =	shalt  }
0x56: {  	_ =	shalt  }
0x57: {  	_ =	shalt  }
0x58: {  	_ =	shalt  }
0x59: {  	_ =	shalt  }
0x5a: {  	_ =	shalt  }
0x5b: {  	_ =	shalt  }
0x5c: {  	_ =	shalt  }
0x5d: {  	_ =	shalt  }
0x5e: {  	_ =	shalt  }
0x5f: {  	_ =	shalt  }
0x60: {  	_ =	shalt  }
0x61: {  	_ =	shalt  }
0x62: {  	_ =	shalt  }
0x63: {  	_ =	shalt  }
0x64: {  	_ =	shalt  }
0x65: {  	_ =	shalt  }
0x66: {  	_ =	shalt  }
0x67: {  	_ =	shalt  }
0x68: {  	_ =	shalt  }
0x69: {  	_ =	shalt  }
0x6a: {  	_ =	shalt  }
0x6b: {  	_ =	shalt  }
0x6c: {  	_ =	shalt  }
0x6d: {  	_ =	shalt  }
0x6e: {  	_ =	shalt  }
0x6f: {  	_ =	shalt  }
0x70: {  	_ =	shalt  }
0x71: {  	_ =	shalt  }
0x72: {  	_ =	shalt  }
0x73: {  	_ =	shalt  }
0x74: {  	_ =	shalt  }
0x75: {  	_ =	shalt  }
0x76: {  	_ =	shalt  }
0x77: {  	_ =	shalt  }
0x78: {  	_ =	shalt  }
0x79: {  	_ =	shalt  }
0x7a: {  	_ =	shalt  }
0x7b: {  	_ =	shalt  }
0x7c: {  	_ =	shalt  }
0x7d: {  	_ =	shalt  }
0x7e: {  	_ =	shalt  }
0x7f: {  	_ =	shalt  }
0x80: {  	_ =	shalt  }
0x81: {  	_ =	shalt  }
0x82: {  	_ =	shalt  }
0x83: {  	_ =	shalt  }
0x84: {  	_ =	shalt  }
0x85: {  	_ =	shalt  }
0x86: {  	_ =	shalt  }
0x87: {  	_ =	shalt  }
.Lfunc_end0:
.L_simem_size_0:
called_computation_lowered:
.L_overlay_start_0:
0x88: {  	s2 =	sld [smem:$0x3FD9]  }
0x89: {  	s3 =	sld [smem:$0x3FFE];
	_ =	sdelay $0x1  }
0x8a: {  	s1 =	srdreg.scid  }
0x8b: {  	s0 =	sand.u32 $0x1, s1  }
0x8c: {  	s17 =	sshll.u32 s0, $0xA;
	s2 =	sadd.s32 s3, s2  }
0x8d: {  	s2 =	sadd.s32 s2, s17  }
0x8e: {  	[smem:$0x3FBE] =	sst s2  }
0x8f: {  	_ = 	snop  }
0x90: {  	s2 =	sld [smem:$0x3FD0];
	(tm) =	ssettm $0x1  }
0x91: {  	s18 =	sld [smem:$0x3FFB];
	_ =	sdelay $0x3  }
0x92: {  	_ =	strace s18  }
0x93: {  	s3 =	sld [smem:$0x3FFC];
	_ =	sdelay $0x3  }
0x94: {  	_ =	strace s3  }
0x95: {  	s3 =	sld [smem:$0x3FFD];
	_ =	sdelay $0x3  }
0x96: {  	_ =	strace s3  }
0x97: {  	_ =	strace $0x8FFFFFFF  }
0x98: {  	s19 =	sld [smem:$0x3FDB];
	_ =	sdelay $0x1  }
0x99: {  	s4 =	simm.s32 $_scs_section_size  }
0x9a: {  	s5 =	simm.s32 $_size__tile_overlayer_lowered;
	s6 =	simm.s32 $_tile_overlayer_lowered  }
0x9b: {  	s22 =	simm.s32 $0x1BFF;
	s21 =	sshll.u32 s6, $0x1;
	s3 =	sadd.s32 s4, s19  }
0x9c: {  	s7 =	simm.s32 $0x0;
	s20 =	sshll.u32 s5, $0x1;
	s5 =	sadd.s32 s21, s3  }
0x9d: {  	[timem:s7], [sflag:s22] =	dma.local [hbm:s5], s20  }
0x9e: {  	_ =	swait.ge [sflag:s22], s20  }
0x9f: {  	s4 =	ssub.s32 $0x0, s20;
	[sflag:s22] =	ssyncset.done $0x0  }
0xa0: {  	[sflag:s22] =	ssyncadd.s32 s4;
	_ =	sdelay $0x1  }
0xa1: {  	s23 =	simm.s32 $0x1B8B  }
0xa2: {  	_ =	swait.ge [sflag:s23], $0x1  }
0xa3: {  	[sflag:s23] =	ssyncset.done $0x0  }
0xa4: {  	s25 =	simm.s32 $0x1B8E;
	s24 =	sld [smem:$0x3FFE];
	[sflag:s23] =	ssyncadd.s32 $0xFFFFFFFF  }
0xa5: {  	s26 =	simm.s32 $execute0_lowered;
	[smem:$0x3FD2] =	sst s25  }
0xa6: {  	s5 =	sshll.u32 s26, $0x1;
	_ =	strace $0x80000046;
	[dreg:$0x1] =	wrdreg $0xFFFFFFFF  }
0xa7: {  	s28 =	simm.s32 $_size_execute0_lowered;
	s3 =	sadd.s32 s3, s5;
	[dreg:$0x0] =	wrdreg $0x0  }
0xa8: {  	s5 =	sshll.u32 s28, $0x1;
	[dreg:$0x2] =	wrdreg s3  }
0xa9: {  	[dreg:$0x3] =	wrdreg s5  }
0xaa: {  	[dreg:$0x4] =	wrdreg $0xC0  }
0xab: {  	_ =	task [dreg:s7], $0x5FFFF  }
0xac: {  	[dreg:$0x1] =	wrdreg $0xFFFFFFFF  }
0xad: {  	[dreg:$0x0] =	wrdreg $0x60  }
0xae: {  	[dreg:$0x2] =	wrdreg s2  }
0xaf: {  	[dreg:$0x3] =	wrdreg s24  }
0xb0: {  	[dreg:$0x4] =	wrdreg $0x9  }
0xb1: {  	_ =	task.clear_ibuf [dreg:s7], $0x5FFFF;
	_ =	strace $0x90000046  }
0xb2: {  	s29 =	simm.s32 $0x9;
	_ =	strace $0x80000048  }
0xb3: {  	_ =	swait.ge [sflag:s29], $0x1  }
0xb4: {  	[sflag:s29] =	ssyncadd.s32 $0xFFFFFFFF  }
0xb5: {  	_ =	strace $0x90000048  }
0xb6: {  	_ =	sfence  }
0xb7: {  	s30 =	sld [smem:$0x0];
	_ =	sdelay $0x2  }
0xb8: {  	s31 =	sshll.u32 s1, $0xD;
	s1 =	sshrl.u32 s1, $0x2  }
0xb9: {  	s3 =	sand.u32 $0x4000, s31;
	s1 =	sadd.s32 s1, s30  }
0xba: {  	s0 =	sor.u32 s3, s0;
	s1 =	sshll.u32 s1, $0x11  }
0xbb: {  	s0 =	sor.u32 s1, s0  }
0xbc: {  	s0 =	sadd.s32 $0x8F2B, s0  }
0xbd: {  	[sflag:s0] =	ssyncadd.remote.s32 $0x1  }
0xbe: {  	_ =	sfence.sel $0xFFFF  }
0xbf: {  	[dreg:$0x0] =	wrdreg $0xFFFFFFFF;
	(pc) =	sbr.abs _section_cstart, $3  }
0xc0: {  	[dreg:$0x1] =	wrdreg $0xFFFFFFFF  }
0xc1: {  	_ =	task.clear_ibuf [dreg:s7], $0x2FFFF;
	_ =	strace $0x9FFFFFFF  }
0xc2: {  	(tm) =	ssettm $0x7FFFFFFF  }
0xc3: {  	_ =	shalt  }
tec
execute0_lowered:
.L_overlay_start_1:
0x0: {  	(tag) =	ssettag $0x1  }
0x1: {  	s4 =	rddreg [dreg:$0x0];
	s1 =	srdreg.scid  }
0x2: {  	s0 =	stileid.u32;
	s3 =	rddreg [dreg:$0x1]  }
0x3: {  	s2 =	simm.s32 $0x0;
	s5 =	sand.u32 $0x1, s1;
	s6 =	sshll.u32 s0, $0x1  }
0x4: {  	s9 =	simm.s32 $0x80;
	s10 =	simm.s32 $0x1;
	s6 =	sor.u32 s5, s6  }
0x5: {  	s1 =	rddreg [dreg:$0x2];
	s5 =	ssub.s32 $0x2, s5;
	s6 =	smul.u32 $0x380, s6  }
0x6: {  	s11 =	simm.s32 $0x0;
	[smem:$0x7FF] =	sst s2;
	s8 =	sshrl.u32 s5, $0x1  }
0x7: {  	_ =	strace $0x80000047;
	s8 =	ssub.s32 s5, s8;
	s7 =	sadd.s32 s6, s3  }
0x8: {  	s3 =	sadd.s32 $0x7E00, s3;
	s4 =	sadd.s32 s4, s6;
	s6 =	smax.u32 s8, $0x1  }
0x9: {  	s8 =	simm.s32 $0x1C00;
	s5 =	sadd.s32 $0xE00, s7;
	s7 =	simm.s32 $0x2  }
.LBB2_1:
0xa: {  	[tilespmem:s2], [sflag:$0x2] =	stream.linear.gather [hbm4b:s4+s2], $0x1900, $0x38;
	[tilespmem:$0x3800] =	vst v63  }
0xb: {  	_ =	swait.ge [sflag:s7], $0x1900  }
0xc: {  	[sflag:s7] =	ssyncset.done $0x0  }
0xd: {  	[sflag:s7] =	ssyncadd.s32 $0xFFFFE700  }
0xe: {  	[tilespmem:s8], [sflag:$0x2] =	stream.linear.gather [hbm4b:s5+s2], $0x1900, $0x38;
	[tilespmem:$0x3800] =	vst v63  }
0xf: {  	_ =	swait.ge [sflag:s7], $0x1900  }
0x10: {  	[sflag:s7] =	ssyncset.done $0x0  }
0x11: {  	s12 =	simm.s32 $0x0;
	s13 =	simm.s32 $0x1C00;
	[sflag:s7] =	ssyncadd.s32 $0xFFFFE700  }
0x12: {  	[hbm4b:s3+s9] =	stream.indirect.scatter [tilespmem:s13], [sflag:$0x1], $0x1, s12, s9, $0xb8;
	[tilespmem:$0x3800] =	vst v63  }
0x13: {  	s12 =	simm.s32 $0x200;
	_ =	swait.ge [sflag:s10], $0x80  }
.LBB2_2:
0x14: {  	s13 =	sshra.s32 s12, $0x2;
	[sflag:s10] =	ssyncset.done $0x0;
	p0 =	sne.s32 s12, $0x6200  }
.Ltmp0:
0x15: {  	s14 =	sadd.s32 $0x1C00, s13;
	[sflag:s10] =	ssyncadd.s32 $0xFFFFFF80;
	(pc) =	sbr.rel @p0 .LBB2_2-.Ltmp0, $3  }
0x16: {  	[hbm4b:s3+s9] =	stream.indirect.scatter [tilespmem:s14], [sflag:$0x1], $0x1, s13, s9, $0xb8;
	[tilespmem:$0x3800] =	vst v63  }
0x17: {  	s12 =	sadd.s32 $0x200, s12;
	_ =	sdelay $0x1  }
0x18: {  	_ =	swait.ge [sflag:s10], $0x80  }
0x19: {  	s11 =	sadd.s32 $0x1, s11  }
0x1a: {  	p0 =	sne.s32 s11, s6  }
.Ltmp1:
0x1b: {  	_ = 	snop;
	(pc) =	sbr.rel @p0 .LBB2_1-.Ltmp1, $3  }
0x1c: {  	_ =	sdelay $0x1  }
0x1d: {  	[sflag:s10] =	ssyncset.done $0x0  }
0x1e: {  	[sflag:s10] =	ssyncadd.s32 $0xFFFFFF80  }
0x1f: {  	_ =	sfence.sel $0x180000  }
0x20: {  	[bflag:$0x0] =	sbarrier.arrive $0xFFFF  }
0x21: {  	p0 =	sne.s32 s0, $0x0;
	_ =	strace $0x90000047  }
0x22: {  	s0 =	sadd.s32 @!p0 $0x100000, s1;
	[bflag:$0x2] =	sbarrier.arrive $0xFFFF  }
0x23: {  	[sflag:s0] =	ssyncadd.tile.s32 @!p0 $0x1;
	_ =	shalt  }
.Lfunc_end2:
_tile_overlayer_lowered:
.L_overlay_start_2:
0x24: {  	(tag) =	ssettag $0x2  }
0x25: {  	s0 =	rddreg [dreg:$0x0];
	s2 =	stileid.u32  }
0x26: {  	s1 =	rddreg [dreg:$0x1];
	p0 =	sne.s32 s2, $0x0  }
0x27: {  	s3 =	rddreg [dreg:$0x2];
	[bflag:$0x3] =	sbarrier.arrive $0xFFFF;
	s2 =	simm.s32 @!p0 $0x1C02  }
0x28: {  	[timem:s3], [sflag:s2] =	dma.local @!p0 [hbm:s0], s1  }
0x29: {  	s0 =	simm.s32 @!p0 $0x2  }
0x2a: {  	_ =	swait.ge @!p0 [sflag:s0], s1  }
0x2b: {  	s1 =	ssub.s32 @!p0 $0x0, s1;
	[sflag:s0] =	ssyncset.done @!p0 $0x0  }
0x2c: {  	[sflag:s0] =	ssyncadd.s32 @!p0 s1  }
0x2d: {  	[bflag:$0x3] =	sbarrier.arrive $0xFFFF  }
0x2e: {  	_ =	shalt  }

</sc_bundles>
